<compile_context>
chip_gen: v7x
topology: tpu7x:2x2x1
jax: 0.10.2.dev20260603
libtpu: 0.0.44.dev20260713+nightly
codegen_flags: <defaults>
</compile_context>

<pallas_src>
import functools

import jax
import jax.numpy as jnp
from jax import lax
from jax.experimental import pallas as pl
from jax.experimental.pallas import tpu as pltpu
from jax.experimental.pallas import tpu_sc as plsc

_B, _H, _S, _D = 4, 16, 4096, 128
_N = _B * _H * _S
_NW = 32
_PER = _N // _NW
_ROWS = _PER // 128


@jax.jit
def _sc_select(x1, idxv):
    mesh = plsc.VectorSubcoreMesh(core_axis_name="c", subcore_axis_name="s")

    @functools.partial(
        pl.kernel,
        mesh=mesh,
        out_type=jax.ShapeDtypeStruct((_B, _H, _S), jnp.float32),
        scratch_types=[
            pltpu.VMEM((16,), jnp.int32),
            pltpu.VMEM((_ROWS, 128), jnp.int32),
            pltpu.VMEM((8, 1024), jnp.float32),
            pltpu.SemaphoreType.DMA,
        ],
        compiler_params=pltpu.CompilerParams(
            use_tc_tiling_on_sc=True,
            disable_bounds_checks=True,
            disable_semaphore_checks=True,
        ),
    )
    def k(x_hbm, idx_hbm, out_hbm, idx_v, gidx, buf, sem):
        wid = lax.axis_index("s") * 2 + lax.axis_index("c")
        pltpu.sync_copy(idx_hbm, idx_v)
        vidx = idx_v[...]
        lane = lax.iota(jnp.int32, 16) * _D

        b = wid // 8
        w8 = wid % 8
        h0 = (w8 // 4) * 8
        s0 = (w8 % 4) * 1024

        def fill_and_fire(j, carry):
            r, c = j // 8, j % 8
            base = ((b * _H + h0 + r) * _S + s0 + c * 128) * _D + vidx
            for kk in range(8):
                gidx[j, pl.ds(kk * 16, 16)] = base + (kk * 16 * _D) + lane
            pltpu.async_copy(
                x_hbm.at[gidx.at[j]],
                buf.at[r, pl.ds(c * 128, 128)],
                sem,
            )
            return carry

        lax.fori_loop(0, _ROWS, fill_and_fire, 0)
        out_blk = out_hbm.at[b, pl.ds(h0, 8), pl.ds(s0, 1024)]
        pltpu.make_async_copy(out_blk, buf, sem).wait()
        pltpu.sync_copy(buf, out_blk)

    return k(x1, idxv)


def kernel(x, dim, index):
    idx = (jnp.asarray(index) + jnp.asarray(dim) - 3).astype(jnp.int32)
    x1 = x.reshape(_N * _D)
    return _sc_select(x1, jnp.full((16,), idx, jnp.int32))

# --- scband reference (transcript-rebuilt; emitter-appended) ---
"""Pipeline reference for scband-torch-ops-aten-select-int-module-66236985639435 (READ-ONLY COPY).

The authoritative reference and input builder live on the scoring server;
editing this copy changes nothing except your own understanding.
"""

import jax, jax.numpy as jnp
import numpy as np


def setup_inputs(seed: int = 0) -> dict:
    key = jax.random.key(seed)
    x = jax.random.normal(key, (4, 16, 4096, 128), dtype=jnp.float32)
    return {"x": x, "dim": 3, "index": 100}


def reference(x, dim, index):
    # Faithful translation of torch.ops.aten.select.int(x, dim, index):
    # selects a single slice along `dim`, removing that dimension.
    return jnp.take(x, index + (dim - 3), axis=3)

if __name__ == "__main__":
    import jax
    _d = setup_inputs()
    print(jax.jit(kernel)(*tuple(_d.values())))

</pallas_src>

<mosaic_0001>
#map = affine_map<(d0, d1) -> (0)>
#map1 = affine_map<(d0, d1) -> (0, 0, 0)>
module attributes {stable_mosaic.version = 14 : i64} {
  func.func @k(%arg0: i32, %arg1: i32, %arg2: memref<33554432xf32, #tpu.memory_space<hbm>>, %arg3: memref<16xi32, #tpu.memory_space<hbm>>, %arg4: memref<4x16x4096xf32, #tpu.memory_space<hbm>>, %arg5: memref<16xi32, #tpu.memory_space<vmem>>, %arg6: memref<64x128xi32, #tpu.memory_space<vmem>>, %arg7: memref<8x1024xf32, #tpu.memory_space<vmem>>, %arg8: memref<!tpu.dma_semaphore, #tpu.memory_space<semaphore_mem>>) attributes {dimension_semantics = [#tpu.dimension_semantics<core_parallel>, #tpu.dimension_semantics<subcore_parallel>], iteration_bounds = array<i64: 2, 16>, scalar_prefetch = 0 : i64, scratch_operands = 4 : i64, tpu.core_type = #tpu.core_type<sc_vector_subcore>, window_params = [{transform_indices = #map}, {transform_indices = #map}, {transform_indices = #map1}]} {
    %mul3A = arith.constant 2 : i32
    %mul3A_0 = arith.muli %arg1, %mul3A : i32
    %add3A = arith.addi %mul3A_0, %arg0 : i32
    "tpu.region"() ({
      %run_scoped3A = tpu.sem_alloc : memref<!tpu.dma_semaphore, #tpu.memory_space<semaphore_mem>>
      tpu.enqueue_dma source(%arg3 : memref<16xi32, #tpu.memory_space<hbm>>) target(%arg5 : memref<16xi32, #tpu.memory_space<vmem>>) target_semaphore(%run_scoped3A : memref<!tpu.dma_semaphore, #tpu.memory_space<semaphore_mem>>)
      tpu.wait_dma2 semaphore(%run_scoped3A : memref<!tpu.dma_semaphore, #tpu.memory_space<semaphore_mem>>) src(%arg3 : memref<16xi32, #tpu.memory_space<hbm>>) dst(%arg5 : memref<16xi32, #tpu.memory_space<vmem>>)
      tpu.yield
    }) : () -> ()
    %get3A = arith.constant 0 : index
    %get3A_1 = tpu.vector_load %arg5[%get3A] {strides = array<i32>} : memref<16xi32, #tpu.memory_space<vmem>>, vector<16xi32>,
    %get3A_2 = vector.shape_cast %get3A_1 : vector<16xi32> to vector<16xi32>
    %iota3A = tpu.iota {dimensions = array<i32: 0>} : vector<16xi32>
    %mul3A_3 = arith.constant 128 : i32
    %mul3A_4 = vector.broadcast %mul3A_3 : i32 to vector<16xi32>
    %mul3A_5 = arith.muli %iota3A, %mul3A_4 : vector<16xi32>
    %jit3A = arith.constant 8 : i32
    %div3A = arith.divsi %add3A, %jit3A : i32
    %sign3A = arith.constant 0 : i32
    %sign3A_6 = arith.cmpi sgt, %add3A, %sign3A : i32
    %sign3A_7 = arith.extui %sign3A_6 : i1 to i32
    %sign3A_8 = arith.constant 0 : i32
    %sign3A_9 = arith.cmpi slt, %add3A, %sign3A_8 : i32
    %sign3A_10 = arith.extui %sign3A_9 : i1 to i32
    %sign3A_11 = arith.subi %sign3A_7, %sign3A_10 : i32
    %sign3A_12 = arith.constant 0 : i32
    %sign3A_13 = arith.cmpi sgt, %jit3A, %sign3A_12 : i32
    %sign3A_14 = arith.extui %sign3A_13 : i1 to i32
    %sign3A_15 = arith.constant 0 : i32
    %sign3A_16 = arith.cmpi slt, %jit3A, %sign3A_15 : i32
    %sign3A_17 = arith.extui %sign3A_16 : i1 to i32
    %sign3A_18 = arith.subi %sign3A_14, %sign3A_17 : i32
    %ne3A = arith.cmpi ne, %sign3A_11, %sign3A_18 : i32
    %rem3A = arith.remsi %add3A, %jit3A : i32
    %ne3A_19 = arith.constant 0 : i32
    %ne3A_20 = arith.cmpi ne, %rem3A, %ne3A_19 : i32
    %and3A = arith.andi %ne3A, %ne3A_20 : i1
    %sub3A = arith.constant 1 : i32
    %sub3A_21 = arith.subi %div3A, %sub3A : i32
    %select_n3A = arith.select %and3A, %sub3A_21, %div3A : i32
    %jit3A_22 = arith.constant 8 : i32
    %eq3A = arith.constant 0 : i32
    %eq3A_23 = arith.cmpi eq, %jit3A_22, %eq3A : i32
    %jit3A_24 = arith.constant 1 : i32
    %select_n3A_25 = arith.select %eq3A_23, %jit3A_24, %jit3A_22 : i32
    %rem3A_26 = arith.remsi %add3A, %select_n3A_25 : i32
    %ne3A_27 = arith.constant 0 : i32
    %ne3A_28 = arith.cmpi ne, %rem3A_26, %ne3A_27 : i32
    %lt3A = arith.constant 0 : i32
    %lt3A_29 = arith.cmpi slt, %rem3A_26, %lt3A : i32
    %lt3A_30 = arith.constant 0 : i32
    %lt3A_31 = arith.cmpi slt, %select_n3A_25, %lt3A_30 : i32
    %ne3A_32 = arith.xori %lt3A_29, %lt3A_31 : i1
    %and3A_33 = arith.andi %ne3A_32, %ne3A_28 : i1
    %add3A_34 = arith.addi %rem3A_26, %select_n3A_25 : i32
    %select_n3A_35 = arith.select %and3A_33, %add3A_34, %rem3A_26 : i32
    %jit3A_36 = arith.constant 4 : i32
    %div3A_37 = arith.divsi %select_n3A_35, %jit3A_36 : i32
    %sign3A_38 = arith.constant 0 : i32
    %sign3A_39 = arith.cmpi sgt, %select_n3A_35, %sign3A_38 : i32
    %sign3A_40 = arith.extui %sign3A_39 : i1 to i32
    %sign3A_41 = arith.constant 0 : i32
    %sign3A_42 = arith.cmpi slt, %select_n3A_35, %sign3A_41 : i32
    %sign3A_43 = arith.extui %sign3A_42 : i1 to i32
    %sign3A_44 = arith.subi %sign3A_40, %sign3A_43 : i32
    %sign3A_45 = arith.constant 0 : i32
    %sign3A_46 = arith.cmpi sgt, %jit3A_36, %sign3A_45 : i32
    %sign3A_47 = arith.extui %sign3A_46 : i1 to i32
    %sign3A_48 = arith.constant 0 : i32
    %sign3A_49 = arith.cmpi slt, %jit3A_36, %sign3A_48 : i32
    %sign3A_50 = arith.extui %sign3A_49 : i1 to i32
    %sign3A_51 = arith.subi %sign3A_47, %sign3A_50 : i32
    %ne3A_52 = arith.cmpi ne, %sign3A_44, %sign3A_51 : i32
    %rem3A_53 = arith.remsi %select_n3A_35, %jit3A_36 : i32
    %ne3A_54 = arith.constant 0 : i32
    %ne3A_55 = arith.cmpi ne, %rem3A_53, %ne3A_54 : i32
    %and3A_56 = arith.andi %ne3A_52, %ne3A_55 : i1
    %sub3A_57 = arith.constant 1 : i32
    %sub3A_58 = arith.subi %div3A_37, %sub3A_57 : i32
    %select_n3A_59 = arith.select %and3A_56, %sub3A_58, %div3A_37 : i32
    %mul3A_60 = arith.constant 8 : i32
    %mul3A_61 = arith.muli %select_n3A_59, %mul3A_60 : i32
    %jit3A_62 = arith.constant 4 : i32
    %eq3A_63 = arith.constant 0 : i32
    %eq3A_64 = arith.cmpi eq, %jit3A_62, %eq3A_63 : i32
    %jit3A_65 = arith.constant 1 : i32
    %select_n3A_66 = arith.select %eq3A_64, %jit3A_65, %jit3A_62 : i32
    %rem3A_67 = arith.remsi %select_n3A_35, %select_n3A_66 : i32
    %ne3A_68 = arith.constant 0 : i32
    %ne3A_69 = arith.cmpi ne, %rem3A_67, %ne3A_68 : i32
    %lt3A_70 = arith.constant 0 : i32
    %lt3A_71 = arith.cmpi slt, %rem3A_67, %lt3A_70 : i32
    %lt3A_72 = arith.constant 0 : i32
    %lt3A_73 = arith.cmpi slt, %select_n3A_66, %lt3A_72 : i32
    %ne3A_74 = arith.xori %lt3A_71, %lt3A_73 : i1
    %and3A_75 = arith.andi %ne3A_74, %ne3A_69 : i1
    %add3A_76 = arith.addi %rem3A_67, %select_n3A_66 : i32
    %select_n3A_77 = arith.select %and3A_75, %add3A_76, %rem3A_67 : i32
    %mul3A_78 = arith.constant 1024 : i32
    %mul3A_79 = arith.muli %select_n3A_77, %mul3A_78 : i32
    %scan3A = arith.constant 0 : i32
    %scan3A_80 = arith.constant 0 : i32
    %scan3A_81 = arith.constant 64 : i32
    %scan3A_82 = arith.addi %scan3A_80, %scan3A_81 : i32
    %scan3A_83 = arith.constant 1 : i32
    scf.for %scan3A_88 = %scan3A_80 to %scan3A_82 step %scan3A_83  : i32 {
      %jit3A_89 = arith.constant 8 : i32
      %div3A_90 = arith.divsi %scan3A_88, %jit3A_89 : i32
      %sign3A_91 = arith.constant 0 : i32
      %sign3A_92 = arith.cmpi sgt, %scan3A_88, %sign3A_91 : i32
      %sign3A_93 = arith.extui %sign3A_92 : i1 to i32
      %sign3A_94 = arith.constant 0 : i32
      %sign3A_95 = arith.cmpi slt, %scan3A_88, %sign3A_94 : i32
      %sign3A_96 = arith.extui %sign3A_95 : i1 to i32
      %sign3A_97 = arith.subi %sign3A_93, %sign3A_96 : i32
      %sign3A_98 = arith.constant 0 : i32
      %sign3A_99 = arith.cmpi sgt, %jit3A_89, %sign3A_98 : i32
      %sign3A_100 = arith.extui %sign3A_99 : i1 to i32
      %sign3A_101 = arith.constant 0 : i32
      %sign3A_102 = arith.cmpi slt, %jit3A_89, %sign3A_101 : i32
      %sign3A_103 = arith.extui %sign3A_102 : i1 to i32
      %sign3A_104 = arith.subi %sign3A_100, %sign3A_103 : i32
      %ne3A_105 = arith.cmpi ne, %sign3A_97, %sign3A_104 : i32
      %rem3A_106 = arith.remsi %scan3A_88, %jit3A_89 : i32
      %ne3A_107 = arith.constant 0 : i32
      %ne3A_108 = arith.cmpi ne, %rem3A_106, %ne3A_107 : i32
      %and3A_109 = arith.andi %ne3A_105, %ne3A_108 : i1
      %sub3A_110 = arith.constant 1 : i32
      %sub3A_111 = arith.subi %div3A_90, %sub3A_110 : i32
      %select_n3A_112 = arith.select %and3A_109, %sub3A_111, %div3A_90 : i32
      %jit3A_113 = arith.constant 8 : i32
      %eq3A_114 = arith.constant 0 : i32
      %eq3A_115 = arith.cmpi eq, %jit3A_113, %eq3A_114 : i32
      %jit3A_116 = arith.constant 1 : i32
      %select_n3A_117 = arith.select %eq3A_115, %jit3A_116, %jit3A_113 : i32
      %rem3A_118 = arith.remsi %scan3A_88, %select_n3A_117 : i32
      %ne3A_119 = arith.constant 0 : i32
      %ne3A_120 = arith.cmpi ne, %rem3A_118, %ne3A_119 : i32
      %lt3A_121 = arith.constant 0 : i32
      %lt3A_122 = arith.cmpi slt, %rem3A_118, %lt3A_121 : i32
      %lt3A_123 = arith.constant 0 : i32
      %lt3A_124 = arith.cmpi slt, %select_n3A_117, %lt3A_123 : i32
      %ne3A_125 = arith.xori %lt3A_122, %lt3A_124 : i1
      %and3A_126 = arith.andi %ne3A_125, %ne3A_120 : i1
      %add3A_127 = arith.addi %rem3A_118, %select_n3A_117 : i32
      %select_n3A_128 = arith.select %and3A_126, %add3A_127, %rem3A_118 : i32
      %mul3A_129 = arith.constant 16 : i32
      %mul3A_130 = arith.muli %select_n3A, %mul3A_129 : i32
      %add3A_131 = arith.addi %mul3A_130, %mul3A_61 : i32
      %add3A_132 = arith.addi %add3A_131, %select_n3A_112 : i32
      %mul3A_133 = arith.constant 4096 : i32
      %mul3A_134 = arith.muli %add3A_132, %mul3A_133 : i32
      %add3A_135 = arith.addi %mul3A_134, %mul3A_79 : i32
      %mul3A_136 = arith.constant 128 : i32
      %mul3A_137 = arith.muli %select_n3A_128, %mul3A_136 : i32
      %add3A_138 = arith.addi %add3A_135, %mul3A_137 : i32
      %mul3A_139 = arith.constant 128 : i32
      %mul3A_140 = arith.muli %add3A_138, %mul3A_139 : i32
      %add3A_141 = vector.broadcast %mul3A_140 : i32 to vector<16xi32>
      %add3A_142 = arith.addi %add3A_141, %get3A_2 : vector<16xi32>
      %add3A_143 = arith.constant 0 : i32
      %add3A_144 = vector.broadcast %add3A_143 : i32 to vector<16xi32>
      %add3A_145 = arith.addi %add3A_142, %add3A_144 : vector<16xi32>
      %add3A_146 = arith.addi %add3A_145, %mul3A_5 : vector<16xi32>
      %swap3A = arith.index_cast %scan3A_88 : i32 to index
      %swap3A_147 = arith.constant 0 : index
      %swap3A_148 = tpu.vector_load %arg6[%swap3A, %swap3A_147] {strides = array<i32>} : memref<64x128xi32, #tpu.memory_space<vmem>>, vector<1x16xi32>,
      %swap3A_149 = vector.shape_cast %swap3A_148 : vector<1x16xi32> to vector<16xi32>
      %swap3A_150 = vector.shape_cast %add3A_146 : vector<16xi32> to vector<1x16xi32>
      tpu.vector_store %arg6[%swap3A, %swap3A_147], %swap3A_150 {strides = array<i32>} : memref<64x128xi32, #tpu.memory_space<vmem>>, vector<1x16xi32>,
      %add3A_151 = arith.constant 2048 : i32
      %add3A_152 = vector.broadcast %add3A_151 : i32 to vector<16xi32>
      %add3A_153 = arith.addi %add3A_142, %add3A_152 : vector<16xi32>
      %add3A_154 = arith.addi %add3A_153, %mul3A_5 : vector<16xi32>
      %swap3A_155 = arith.index_cast %scan3A_88 : i32 to index
      %swap3A_156 = arith.constant 16 : index
      %swap3A_157 = tpu.vector_load %arg6[%swap3A_155, %swap3A_156] {strides = array<i32>} : memref<64x128xi32, #tpu.memory_space<vmem>>, vector<1x16xi32>,
      %swap3A_158 = vector.shape_cast %swap3A_157 : vector<1x16xi32> to vector<16xi32>
      %swap3A_159 = vector.shape_cast %add3A_154 : vector<16xi32> to vector<1x16xi32>
      tpu.vector_store %arg6[%swap3A_155, %swap3A_156], %swap3A_159 {strides = array<i32>} : memref<64x128xi32, #tpu.memory_space<vmem>>, vector<1x16xi32>,
      %add3A_160 = arith.constant 4096 : i32
      %add3A_161 = vector.broadcast %add3A_160 : i32 to vector<16xi32>
      %add3A_162 = arith.addi %add3A_142, %add3A_161 : vector<16xi32>
      %add3A_163 = arith.addi %add3A_162, %mul3A_5 : vector<16xi32>
      %swap3A_164 = arith.index_cast %scan3A_88 : i32 to index
      %swap3A_165 = arith.constant 32 : index
      %swap3A_166 = tpu.vector_load %arg6[%swap3A_164, %swap3A_165] {strides = array<i32>} : memref<64x128xi32, #tpu.memory_space<vmem>>, vector<1x16xi32>,
      %swap3A_167 = vector.shape_cast %swap3A_166 : vector<1x16xi32> to vector<16xi32>
      %swap3A_168 = vector.shape_cast %add3A_163 : vector<16xi32> to vector<1x16xi32>
      tpu.vector_store %arg6[%swap3A_164, %swap3A_165], %swap3A_168 {strides = array<i32>} : memref<64x128xi32, #tpu.memory_space<vmem>>, vector<1x16xi32>,
      %add3A_169 = arith.constant 6144 : i32
      %add3A_170 = vector.broadcast %add3A_169 : i32 to vector<16xi32>
      %add3A_171 = arith.addi %add3A_142, %add3A_170 : vector<16xi32>
      %add3A_172 = arith.addi %add3A_171, %mul3A_5 : vector<16xi32>
      %swap3A_173 = arith.index_cast %scan3A_88 : i32 to index
      %swap3A_174 = arith.constant 48 : index
      %swap3A_175 = tpu.vector_load %arg6[%swap3A_173, %swap3A_174] {strides = array<i32>} : memref<64x128xi32, #tpu.memory_space<vmem>>, vector<1x16xi32>,
      %swap3A_176 = vector.shape_cast %swap3A_175 : vector<1x16xi32> to vector<16xi32>
      %swap3A_177 = vector.shape_cast %add3A_172 : vector<16xi32> to vector<1x16xi32>
      tpu.vector_store %arg6[%swap3A_173, %swap3A_174], %swap3A_177 {strides = array<i32>} : memref<64x128xi32, #tpu.memory_space<vmem>>, vector<1x16xi32>,
      %add3A_178 = arith.constant 8192 : i32
      %add3A_179 = vector.broadcast %add3A_178 : i32 to vector<16xi32>
      %add3A_180 = arith.addi %add3A_142, %add3A_179 : vector<16xi32>
      %add3A_181 = arith.addi %add3A_180, %mul3A_5 : vector<16xi32>
      %swap3A_182 = arith.index_cast %scan3A_88 : i32 to index
      %swap3A_183 = arith.constant 64 : index
      %swap3A_184 = tpu.vector_load %arg6[%swap3A_182, %swap3A_183] {strides = array<i32>} : memref<64x128xi32, #tpu.memory_space<vmem>>, vector<1x16xi32>,
      %swap3A_185 = vector.shape_cast %swap3A_184 : vector<1x16xi32> to vector<16xi32>
      %swap3A_186 = vector.shape_cast %add3A_181 : vector<16xi32> to vector<1x16xi32>
      tpu.vector_store %arg6[%swap3A_182, %swap3A_183], %swap3A_186 {strides = array<i32>} : memref<64x128xi32, #tpu.memory_space<vmem>>, vector<1x16xi32>,
      %add3A_187 = arith.constant 10240 : i32
      %add3A_188 = vector.broadcast %add3A_187 : i32 to vector<16xi32>
      %add3A_189 = arith.addi %add3A_142, %add3A_188 : vector<16xi32>
      %add3A_190 = arith.addi %add3A_189, %mul3A_5 : vector<16xi32>
      %swap3A_191 = arith.index_cast %scan3A_88 : i32 to index
      %swap3A_192 = arith.constant 80 : index
      %swap3A_193 = tpu.vector_load %arg6[%swap3A_191, %swap3A_192] {strides = array<i32>} : memref<64x128xi32, #tpu.memory_space<vmem>>, vector<1x16xi32>,
      %swap3A_194 = vector.shape_cast %swap3A_193 : vector<1x16xi32> to vector<16xi32>
      %swap3A_195 = vector.shape_cast %add3A_190 : vector<16xi32> to vector<1x16xi32>
      tpu.vector_store %arg6[%swap3A_191, %swap3A_192], %swap3A_195 {strides = array<i32>} : memref<64x128xi32, #tpu.memory_space<vmem>>, vector<1x16xi32>,
      %add3A_196 = arith.constant 12288 : i32
      %add3A_197 = vector.broadcast %add3A_196 : i32 to vector<16xi32>
      %add3A_198 = arith.addi %add3A_142, %add3A_197 : vector<16xi32>
      %add3A_199 = arith.addi %add3A_198, %mul3A_5 : vector<16xi32>
      %swap3A_200 = arith.index_cast %scan3A_88 : i32 to index
      %swap3A_201 = arith.constant 96 : index
      %swap3A_202 = tpu.vector_load %arg6[%swap3A_200, %swap3A_201] {strides = array<i32>} : memref<64x128xi32, #tpu.memory_space<vmem>>, vector<1x16xi32>,
      %swap3A_203 = vector.shape_cast %swap3A_202 : vector<1x16xi32> to vector<16xi32>
      %swap3A_204 = vector.shape_cast %add3A_199 : vector<16xi32> to vector<1x16xi32>
      tpu.vector_store %arg6[%swap3A_200, %swap3A_201], %swap3A_204 {strides = array<i32>} : memref<64x128xi32, #tpu.memory_space<vmem>>, vector<1x16xi32>,
      %add3A_205 = arith.constant 14336 : i32
      %add3A_206 = vector.broadcast %add3A_205 : i32 to vector<16xi32>
      %add3A_207 = arith.addi %add3A_142, %add3A_206 : vector<16xi32>
      %add3A_208 = arith.addi %add3A_207, %mul3A_5 : vector<16xi32>
      %swap3A_209 = arith.index_cast %scan3A_88 : i32 to index
      %swap3A_210 = arith.constant 112 : index
      %swap3A_211 = tpu.vector_load %arg6[%swap3A_209, %swap3A_210] {strides = array<i32>} : memref<64x128xi32, #tpu.memory_space<vmem>>, vector<1x16xi32>,
      %swap3A_212 = vector.shape_cast %swap3A_211 : vector<1x16xi32> to vector<16xi32>
      %swap3A_213 = vector.shape_cast %add3A_208 : vector<16xi32> to vector<1x16xi32>
      tpu.vector_store %arg6[%swap3A_209, %swap3A_210], %swap3A_213 {strides = array<i32>} : memref<64x128xi32, #tpu.memory_space<vmem>>, vector<1x16xi32>,
      %mul3A_214 = arith.constant 128 : i32
      %mul3A_215 = arith.muli %select_n3A_128, %mul3A_214 : i32
      %dma_start3A = tpu.memref_slice %arg7[%select_n3A_112, %mul3A_215] : memref<8x1024xf32, #tpu.memory_space<vmem>> -> memref<1x128xf32, #tpu.memory_space<vmem>>
      %dma_start3A_216 = tpu.memref_squeeze %dma_start3A : memref<1x128xf32, #tpu.memory_space<vmem>> -> memref<128xf32, #tpu.memory_space<vmem>>
      %dma_start3A_217 = arith.constant 0 : i32
      %dma_start3A_218 = tpu.memref_slice %arg6[%scan3A_88, %dma_start3A_217] : memref<64x128xi32, #tpu.memory_space<vmem>> -> memref<1x128xi32, #tpu.memory_space<vmem>>
      %dma_start3A_219 = tpu.memref_squeeze %dma_start3A_218 : memref<1x128xi32, #tpu.memory_space<vmem>> -> memref<128xi32, #tpu.memory_space<vmem>>
      %dma_start3A_220 = arith.constant 0 : i32
      %dma_start3A_221 = tpu.memref_slice %arg2[%dma_start3A_220] : memref<33554432xf32, #tpu.memory_space<hbm>> -> memref<33554432xf32, #tpu.memory_space<hbm>>
      tpu.enqueue_indirect_dma source(%dma_start3A_221 : memref<33554432xf32, #tpu.memory_space<hbm>>) target(%dma_start3A_216 : memref<128xf32, #tpu.memory_space<vmem>>) offsets(%dma_start3A_219 : memref<128xi32, #tpu.memory_space<vmem>>) semaphore(%arg8 : memref<!tpu.dma_semaphore, #tpu.memory_space<semaphore_mem>>)
    }
    %scan3A_84 = arith.constant 64 : i32
    %dma_wait3A = tpu.memref_slice %arg4[%select_n3A, %mul3A_61, %mul3A_79] : memref<4x16x4096xf32, #tpu.memory_space<hbm>> -> memref<1x8x1024xf32, #tpu.memory_space<hbm>>
    %dma_wait3A_85 = tpu.memref_squeeze %dma_wait3A : memref<1x8x1024xf32, #tpu.memory_space<hbm>> -> memref<8x1024xf32, #tpu.memory_space<hbm>>
    %dma_wait3A_86 = tpu.memref_slice %arg4[%select_n3A, %mul3A_61, %mul3A_79] : memref<4x16x4096xf32, #tpu.memory_space<hbm>> -> memref<1x8x1024xf32, #tpu.memory_space<hbm>>
    %dma_wait3A_87 = tpu.memref_squeeze %dma_wait3A_86 : memref<1x8x1024xf32, #tpu.memory_space<hbm>> -> memref<8x1024xf32, #tpu.memory_space<hbm>>
    tpu.wait_dma2 semaphore(%arg8 : memref<!tpu.dma_semaphore, #tpu.memory_space<semaphore_mem>>) src(%dma_wait3A_87 : memref<8x1024xf32, #tpu.memory_space<hbm>>) dst(%arg7 : memref<8x1024xf32, #tpu.memory_space<vmem>>)
    "tpu.region"() ({
      %run_scoped3A = tpu.sem_alloc : memref<!tpu.dma_semaphore, #tpu.memory_space<semaphore_mem>>
      %dma_start3A = tpu.memref_slice %arg4[%select_n3A, %mul3A_61, %mul3A_79] : memref<4x16x4096xf32, #tpu.memory_space<hbm>> -> memref<1x8x1024xf32, #tpu.memory_space<hbm>>
      %dma_start3A_88 = tpu.memref_squeeze %dma_start3A : memref<1x8x1024xf32, #tpu.memory_space<hbm>> -> memref<8x1024xf32, #tpu.memory_space<hbm>>
      %dma_start3A_89 = tpu.memref_slice %arg4[%select_n3A, %mul3A_61, %mul3A_79] : memref<4x16x4096xf32, #tpu.memory_space<hbm>> -> memref<1x8x1024xf32, #tpu.memory_space<hbm>>
      %dma_start3A_90 = tpu.memref_squeeze %dma_start3A_89 : memref<1x8x1024xf32, #tpu.memory_space<hbm>> -> memref<8x1024xf32, #tpu.memory_space<hbm>>
      tpu.enqueue_dma source(%arg7 : memref<8x1024xf32, #tpu.memory_space<vmem>>) target(%dma_start3A_90 : memref<8x1024xf32, #tpu.memory_space<hbm>>) target_semaphore(%run_scoped3A : memref<!tpu.dma_semaphore, #tpu.memory_space<semaphore_mem>>)
      %dma_wait3A_91 = tpu.memref_slice %arg4[%select_n3A, %mul3A_61, %mul3A_79] : memref<4x16x4096xf32, #tpu.memory_space<hbm>> -> memref<1x8x1024xf32, #tpu.memory_space<hbm>>
      %dma_wait3A_92 = tpu.memref_squeeze %dma_wait3A_91 : memref<1x8x1024xf32, #tpu.memory_space<hbm>> -> memref<8x1024xf32, #tpu.memory_space<hbm>>
      %dma_wait3A_93 = tpu.memref_slice %arg4[%select_n3A, %mul3A_61, %mul3A_79] : memref<4x16x4096xf32, #tpu.memory_space<hbm>> -> memref<1x8x1024xf32, #tpu.memory_space<hbm>>
      %dma_wait3A_94 = tpu.memref_squeeze %dma_wait3A_93 : memref<1x8x1024xf32, #tpu.memory_space<hbm>> -> memref<8x1024xf32, #tpu.memory_space<hbm>>
      tpu.wait_dma2 semaphore(%run_scoped3A : memref<!tpu.dma_semaphore, #tpu.memory_space<semaphore_mem>>) src(%arg7 : memref<8x1024xf32, #tpu.memory_space<vmem>>) dst(%dma_wait3A_94 : memref<8x1024xf32, #tpu.memory_space<hbm>>)
      tpu.yield
    }) : () -> ()
    return
  }
}

</mosaic_0001>

<sc_bundles>
// kernel: _sc_select.3.cloned.1.call-start
scs
__scs_entry_jumppad:
0x0: {  	(pc) =	sbr.rel $0x88, $3  }
0x1: {  	(tag) =	ssettag $0x0;
	lr =	simm.s32 $0x1  }
0x2: {  	[smem:$0x3F9F] =	sst lr;
	_ =	strace $0xD0000000  }
0x3: {  	_ = 	snop  }
0x4: {  	_ = 	snop  }
0x5: {  	_ = 	snop  }
0x6: {  	_ = 	snop  }
0x7: {  	_ = 	snop  }
__scs_overlays_trampoline_lowered:
0x8: {  	[smem:$0x3FAE] =	sst s0  }
0x9: {  	[smem:$0x3FAF] =	sst s1  }
0xa: {  	[smem:$0x3FB0] =	sst s2  }
0xb: {  	[smem:$0x3FB1] =	sst s3  }
0xc: {  	[smem:$0x3FB2] =	sst s4  }
0xd: {  	[smem:$0x3FB3] =	sst s5  }
0xe: {  	[smem:$0x3FB4] =	sst s6  }
0xf: {  	[smem:$0x3FB5] =	sst s7  }
0x10: {  	[smem:$0x3FB6] =	sst s8  }
0x11: {  	[smem:$0x3FB7] =	sst s9;
	s0 =	simm.s32 @!p0 $0x0  }
0x12: {  	s1 =	sld [smem:$0x3F9D];
	s0 =	simm.s32 @p0 $0x1  }
0x13: {  	[smem:$0x3FB8] =	sst s0;
	s0 =	simm.s32 @!p1 $0x0  }
0x14: {  	s2 =	sld [smem:$0x3F9C];
	s0 =	simm.s32 @p1 $0x1  }
0x15: {  	[smem:$0x3FB9] =	sst s0;
	s0 =	simm.s32 @!p2 $0x0  }
0x16: {  	s3 =	sld [smem:$0x3FDB];
	s0 =	simm.s32 @p2 $0x1  }
0x17: {  	s4 =	simm.s32 $0x1BF5;
	[smem:$0x3FBB] =	sst s0  }
0x18: {  	s0 =	sld [smem:$0x3F9E];
	_ =	swait.ge [sflag:s4], $0x0  }
0x19: {  	s7 =	sld [smem:$0x3F9F]  }
0x1a: {  	s8 =	sadd.s32 $0xFFFFE003, lr  }
0x1b: {  	s9 =	sadd.s32 $0xFFFFFEF7, lr;
	s5 =	simm.s32 $0xFFFFFFFF;
	p2 =	slt.u32 s8, $0xFFFFF086  }
0x1c: {  	p1 =	slt.u32 s9, $0xF7A;
	s5 =	simm.s32 @!p2 $0x0  }
0x1d: {  	s5 =	simm.s32 @p1 $0x1;
	p0 =	seq.s32 s7, s2  }
0x1e: {  	s7 =	smul.u32 @!p0 $0xF7A, s2;
	p2 =	seq.s32 @!p0 s5, $0x0  }
0x1f: {  	s9 =	smul.u32 $0xF7A, s1;
	s8 =	simm.s32 @!p0 $0x1BF5;
	p2 =	por !p2, p0  }
0x20: {  	[sflag:s8] =	ssyncset.s32 @!p0 $0xFFFFF086;
	s6 =	sadd.s32 @!p0 s3, s7;
	s7 =	simm.s32 @!p0 $0x108  }
0x21: {  	s3 =	sadd.s32 s3, s9;
	s6 =	sadd.s32 @!p0 $0x88, s6;
	s7 =	simm.s32 @p2 $0x1082  }
0x22: {  	[simem:s7], [sflag:s8] =	dma.local @!p0 [hbm:s6], $0xF7A  }
0x23: {  	s9 =	sor.u32 $0xD0000000, s2;
	s6 =	simm.s32 $0x108;
	_ =	swait.ge @!p0 [sflag:s8], $0x0  }
0x24: {  	s3 =	sadd.s32 $0x88, s3;
	s6 =	simm.s32 @!p1 $0x1082;
	[sflag:s4] =	ssyncset.s32 $0xFFFFF086  }
0x25: {  	[simem:s6], [sflag:s4] =	dma.local [hbm:s3], $0xF7A  }
0x26: {  	[smem:$0x3F9F] =	sst s1;
	(tag) =	ssettag s2;
	_ =	strace s9  }
0x27: {  	s1 =	sld [smem:$0x3FAF]  }
0x28: {  	s2 =	sld [smem:$0x3FB0]  }
0x29: {  	s4 =	sld [smem:$0x3FB2]  }
0x2a: {  	p0 =	seq.s32 s5, $0x0;
	s5 =	sld [smem:$0x3FB3]  }
0x2b: {  	s6 =	sld [smem:$0x3FB4]  }
0x2c: {  	s7 =	sld [smem:$0x3FB5]  }
0x2d: {  	s3 =	simm.s32 $0x108;
	s8 =	sld [smem:$0x3FB6]  }
0x2e: {  	s3 =	simm.s32 @!p0 $0x1082;
	s9 =	sld [smem:$0x3FB7]  }
0x2f: {  	lr =	sadd.s32 s0, s3;
	s0 =	sld [smem:$0x3FAE]  }
0x30: {  	s3 =	sld [smem:$0x3FB1]  }
0x31: {  	[smem:$0x3FBA] =	sst s10  }
0x32: {  	s10 =	sld [smem:$0x3FB8];
	_ =	sdelay $0x3  }
0x33: {  	p0 =	seq.s32 s10, $0x1;
	s10 =	sld [smem:$0x3FBA];
	_ =	sdelay $0x3  }
0x34: {  	[smem:$0x3FBA] =	sst s10  }
0x35: {  	s10 =	sld [smem:$0x3FB9];
	_ =	sdelay $0x3  }
0x36: {  	p1 =	seq.s32 s10, $0x1;
	s10 =	sld [smem:$0x3FBA];
	_ =	sdelay $0x3  }
0x37: {  	[smem:$0x3FBA] =	sst s10  }
0x38: {  	s10 =	sld [smem:$0x3FBB]  }
0x39: {  	_ = 	snop;
	(pc) =	sbr.ind lr, $3  }
0x3a: {  	_ = 	snop  }
0x3b: {  	_ = 	snop  }
0x3c: {  	p2 =	seq.s32 s10, $0x1;
	s10 =	sld [smem:$0x3FBA]  }
0x3d: {  	_ =	shalt  }
0x3e: {  	_ =	shalt  }
0x3f: {  	_ =	shalt  }
0x40: {  	_ =	shalt  }
0x41: {  	_ =	shalt  }
0x42: {  	_ =	shalt  }
0x43: {  	_ =	shalt  }
0x44: {  	_ =	shalt  }
0x45: {  	_ =	shalt  }
0x46: {  	_ =	shalt  }
0x47: {  	_ =	shalt  }
0x48: {  	_ =	shalt  }
0x49: {  	_ =	shalt  }
0x4a: {  	_ =	shalt  }
0x4b: {  	_ =	shalt  }
0x4c: {  	_ =	shalt  }
0x4d: {  	_ =	shalt  }
0x4e: {  	_ =	shalt  }
0x4f: {  	_ =	shalt  }
0x50: {  	_ =	shalt  }
0x51: {  	_ =	shalt  }
0x52: {  	_ =	shalt  }
0x53: {  	_ =	shalt  }
0x54: {  	_ =	shalt  }
0x55: {  	_ =	shalt  }
0x56: {  	_ =	shalt  }
0x57: {  	_ =	shalt  }
0x58: {  	_ =	shalt  }
0x59: {  	_ =	shalt  }
0x5a: {  	_ =	shalt  }
0x5b: {  	_ =	shalt  }
0x5c: {  	_ =	shalt  }
0x5d: {  	_ =	shalt  }
0x5e: {  	_ =	shalt  }
0x5f: {  	_ =	shalt  }
0x60: {  	_ =	shalt  }
0x61: {  	_ =	shalt  }
0x62: {  	_ =	shalt  }
0x63: {  	_ =	shalt  }
0x64: {  	_ =	shalt  }
0x65: {  	_ =	shalt  }
0x66: {  	_ =	shalt  }
0x67: {  	_ =	shalt  }
0x68: {  	_ =	shalt  }
0x69: {  	_ =	shalt  }
0x6a: {  	_ =	shalt  }
0x6b: {  	_ =	shalt  }
0x6c: {  	_ =	shalt  }
0x6d: {  	_ =	shalt  }
0x6e: {  	_ =	shalt  }
0x6f: {  	_ =	shalt  }
0x70: {  	_ =	shalt  }
0x71: {  	_ =	shalt  }
0x72: {  	_ =	shalt  }
0x73: {  	_ =	shalt  }
0x74: {  	_ =	shalt  }
0x75: {  	_ =	shalt  }
0x76: {  	_ =	shalt  }
0x77: {  	_ =	shalt  }
0x78: {  	_ =	shalt  }
0x79: {  	_ =	shalt  }
0x7a: {  	_ =	shalt  }
0x7b: {  	_ =	shalt  }
0x7c: {  	_ =	shalt  }
0x7d: {  	_ =	shalt  }
0x7e: {  	_ =	shalt  }
0x7f: {  	_ =	shalt  }
0x80: {  	_ =	shalt  }
0x81: {  	_ =	shalt  }
0x82: {  	_ =	shalt  }
0x83: {  	_ =	shalt  }
0x84: {  	_ =	shalt  }
0x85: {  	_ =	shalt  }
0x86: {  	_ =	shalt  }
0x87: {  	_ =	shalt  }
.Lfunc_end0:
.L_simem_size_0:
called_computation_lowered:
.L_overlay_start_0:
0x88: {  	s2 =	sld [smem:$0x3FD9]  }
0x89: {  	s3 =	sld [smem:$0x3FFE];
	_ =	sdelay $0x1  }
0x8a: {  	s1 =	srdreg.scid  }
0x8b: {  	s0 =	sand.u32 $0x1, s1  }
0x8c: {  	s18 =	sshll.u32 s0, $0xA;
	s2 =	sadd.s32 s3, s2  }
0x8d: {  	s2 =	sadd.s32 s2, s18  }
0x8e: {  	[smem:$0x3FC6] =	sst s2  }
0x8f: {  	_ = 	snop  }
0x90: {  	s2 =	sld [smem:$0x3FC9]  }
0x91: {  	s19 =	sld [smem:$0x3FC8]  }
0x92: {  	s4 =	sld [smem:$0x3FD0];
	(tm) =	ssettm $0x1  }
0x93: {  	s5 =	sld [smem:$0x3FFB];
	_ =	sdelay $0x3  }
0x94: {  	_ =	strace s5  }
0x95: {  	s5 =	sld [smem:$0x3FFC];
	_ =	sdelay $0x3  }
0x96: {  	_ =	strace s5  }
0x97: {  	s5 =	sld [smem:$0x3FFD];
	_ =	sdelay $0x3  }
0x98: {  	_ =	strace s5  }
0x99: {  	_ =	strace $0x8FFFFFFF  }
0x9a: {  	s20 =	sld [smem:$0x3FDB];
	_ =	sdelay $0x1  }
0x9b: {  	s6 =	simm.s32 $_scs_section_size  }
0x9c: {  	s7 =	simm.s32 $_size__tile_overlayer_lowered;
	s8 =	simm.s32 $_tile_overlayer_lowered  }
0x9d: {  	s23 =	simm.s32 $0x1BFF;
	s22 =	sshll.u32 s8, $0x1;
	s5 =	sadd.s32 s6, s20  }
0x9e: {  	s9 =	simm.s32 $0x0;
	s21 =	sshll.u32 s7, $0x1;
	s7 =	sadd.s32 s22, s5  }
0x9f: {  	[timem:s9], [sflag:s23] =	dma.local [hbm:s7], s21  }
0xa0: {  	_ =	swait.ge [sflag:s23], s21  }
0xa1: {  	s6 =	ssub.s32 $0x0, s21;
	[sflag:s23] =	ssyncset.done $0x0  }
0xa2: {  	[sflag:s23] =	ssyncadd.s32 s6;
	_ =	sdelay $0x1  }
0xa3: {  	s24 =	simm.s32 $0x1B8B  }
0xa4: {  	_ =	swait.ge [sflag:s24], $0x1  }
0xa5: {  	[sflag:s24] =	ssyncset.done $0x0  }
0xa6: {  	s25 =	simm.s32 $0x1B8E;
	[sflag:s24] =	ssyncadd.s32 $0xFFFFFFFF  }
0xa7: {  	s26 =	simm.s32 $execute0_lowered;
	[smem:$0x3FD2] =	sst s25  }
0xa8: {  	s6 =	sshll.u32 s26, $0x1;
	_ =	strace $0x80000046;
	[dreg:$0x1] =	wrdreg $0xFFFFFFFF  }
0xa9: {  	s28 =	simm.s32 $_size_execute0_lowered;
	s5 =	sadd.s32 s5, s6;
	[dreg:$0x0] =	wrdreg $0x0  }
0xaa: {  	s6 =	sshll.u32 s28, $0x1;
	[dreg:$0x2] =	wrdreg s5  }
0xab: {  	[dreg:$0x3] =	wrdreg s6  }
0xac: {  	[dreg:$0x4] =	wrdreg $0xC0  }
0xad: {  	_ =	task [dreg:s9], $0x5FFFF  }
0xae: {  	[dreg:$0x1] =	wrdreg $0xFFFFFFFF  }
0xaf: {  	[dreg:$0x0] =	wrdreg $0x60  }
0xb0: {  	[dreg:$0x2] =	wrdreg s2  }
0xb1: {  	[dreg:$0x3] =	wrdreg s19  }
0xb2: {  	[dreg:$0x4] =	wrdreg s4  }
0xb3: {  	[dreg:$0x5] =	wrdreg $0x9  }
0xb4: {  	_ =	task.clear_ibuf [dreg:s9], $0x6FFFF;
	_ =	strace $0x90000046  }
0xb5: {  	s29 =	simm.s32 $0x9;
	_ =	strace $0x80000048  }
0xb6: {  	_ =	swait.ge [sflag:s29], $0x1  }
0xb7: {  	[sflag:s29] =	ssyncadd.s32 $0xFFFFFFFF  }
0xb8: {  	_ =	strace $0x90000048  }
0xb9: {  	_ =	sfence  }
0xba: {  	s30 =	sld [smem:$0x0];
	_ =	sdelay $0x2  }
0xbb: {  	s31 =	sshll.u32 s1, $0xD;
	s1 =	sshrl.u32 s1, $0x2  }
0xbc: {  	s3 =	sand.u32 $0x4000, s31;
	s1 =	sadd.s32 s1, s30  }
0xbd: {  	s0 =	sor.u32 s3, s0;
	s1 =	sshll.u32 s1, $0x11  }
0xbe: {  	s0 =	sor.u32 s1, s0  }
0xbf: {  	s0 =	sadd.s32 $0x8F2B, s0  }
0xc0: {  	[sflag:s0] =	ssyncadd.remote.s32 $0x1  }
0xc1: {  	_ =	sfence.sel $0xFFFF  }
0xc2: {  	[dreg:$0x0] =	wrdreg $0xFFFFFFFF;
	(pc) =	sbr.abs _section_cstart, $3  }
0xc3: {  	[dreg:$0x1] =	wrdreg $0xFFFFFFFF  }
0xc4: {  	_ =	task.clear_ibuf [dreg:s9], $0x2FFFF;
	_ =	strace $0x9FFFFFFF  }
0xc5: {  	(tm) =	ssettm $0x7FFFFFFF  }
tec
execute0_lowered:
.L_overlay_start_1:
0x0: {  	(tag) =	ssettag $0x1  }
0x1: {  	s1 =	rddreg [dreg:$0x0]  }
0x2: {  	s2 =	rddreg [dreg:$0x1]  }
0x3: {  	s5 =	rddreg [dreg:$0x2]  }
0x4: {  	s0 =	rddreg [dreg:$0x3];
	s4 =	simm.s32 $0x0;
	s6 =	srdreg.scid  }
0x5: {  	s3 =	stileid.u32;
	[smem:$0x7FF] =	sst s4;
	s6 =	sand.u32 $0x1, s6  }
0x6: {  	s8 =	sshll.u32 s3, $0x2;
	s10 =	sshrl.u32 s3, $0x2;
	s11 =	sshll.u32 s3, $0xB  }
0x7: {  	_ =	strace $0x80000047;
	s7 =	ssub.s32 $0x2, s6;
	s8 =	sand.u32 $0x8, s8  }
0x8: {  	v0 =	vlaneseq.u32;
	s6 =	sshll.u32 s6, $0xA;
	s12 =	sshll.u32 s10, $0xD;
	s11 =	sand.u32 $0x800, s11  }
0x9: {  	v0 =	vmul.u32 $0x80, v0;
	s30 =	sshll.u32 s10, $0x4;
	s10 =	simm.s32 $0x80;
	s9 =	sshrl.u32 s7, $0x1  }
0xa: {  	s13 =	sshll.u32 s8, $0x9;
	s12 =	sadd.s32 s5, s12;
	s5 =	sor.u32 s6, s11  }
0xb: {  	s6 =	sor.u32 s8, s30;
	v1 =	vor.u32 $0x800, v0;
	s11 =	simm.s32 $0x1;
	s31 =	sadd.s32 s13, s12  }
0xc: {  	v2 =	vor.u32 $0x1000, v0;
	v3 =	vor.u32 $0x1800, v0;
	v4 =	vor.u32 $0x2000, v0;
	s9 =	ssub.s32 s7, s9;
	s12 =	simm.s32 $0x2080;
	s13 =	simm.s32 $0x0  }
0xd: {  	v5 =	vor.u32 $0x2800, v0;
	v6 =	vor.u32 $0x3000, v0;
	v7 =	vor.u32 $0x3800, v0;
	s7 =	sadd.s32 s5, s31;
	s8 =	smax.u32 s9, $0x1;
	s9 =	simm.s32 $0x2  }
.LBB2_1:
0xe: {  	[tilespmem:s4], [sflag:$0x2] =	stream.linear.gather [hbm4b:s2+s4], $0x80, $0x38;
	[tilespmem:$0x4080] =	vst v63  }
0xf: {  	_ =	swait.ge [sflag:s9], $0x80  }
0x10: {  	[sflag:s9] =	ssyncset.done $0x0  }
0x11: {  	[sflag:s9] =	ssyncadd.s32 $0xFFFFFF80  }
0x12: {  	s14 =	sadd.s32 $0x0, s6;
	v9 =	vld [tilespmem:$0x0]  }
0x13: {  	s14 =	sshll.u32 s14, $0xC  }
0x14: {  	s15 =	sand.u32 $0x380, s4;
	s14 =	sor.u32 s5, s14  }
0x15: {  	s14 =	sor.u32 s15, s14  }
0x16: {  	s14 =	sshll.u32 s14, $0x7  }
0x17: {  	s17 =	simm.s32 $0x1;
	v8 =	vadd.s32 s14, v9  }
0x18: {  	s16 =	simm.s32 $0x0;
	s18 =	simm.s32 $0x0;
	s14 =	simm.s32 $0x80;
	v10 =	vadd.s32 v1, v8  }
.LBB2_2:
0x19: {  	p0 =	sne.s32 s17, $0x3F;
	[tilespmem:s14+$0x10] =	vst v10;
	v10 =	vadd.s32 v2, v8  }
0x1a: {  	s19 =	sshrl.u32 s17, $0x3;
	s20 =	sshll.u32 s16, $0x4;
	[tilespmem:s14+$0x20] =	vst v10;
	v10 =	vadd.s32 v3, v8  }
0x1b: {  	s16 =	smov.u32 s17;
	s18 =	sadd.s32 $0x80, s18;
	s19 =	sadd.s32 s6, s19;
	[tilespmem:s14+$0x30] =	vst v10;
	v10 =	vadd.s32 v4, v8  }
0x1c: {  	s21 =	sshll.u32 s15, $0x3;
	s20 =	sand.u32 $0x3FFFFF80, s20;
	s19 =	sshll.u32 s19, $0xC;
	[tilespmem:s14+$0x40] =	vst v10;
	v10 =	vadd.s32 v5, v8  }
.Ltmp0:
0x1d: {  	s15 =	sand.u32 $0x380, s18;
	s19 =	sor.u32 s5, s19;
	[tilespmem:s14+$0x50] =	vst v10;
	v10 =	vadd.s32 v6, v8;
	(pc) =	sbr.rel @p0 .LBB2_2-.Ltmp0, $4  }
0x1e: {  	s20 =	sadd.s32 s20, s21;
	s19 =	sor.u32 s15, s19;
	[tilespmem:s14+$0x60] =	vst v10;
	v10 =	vadd.s32 v7, v8  }
0x1f: {  	v11 =	vadd.s32 v0, v8;
	s20 =	sadd.s32 $0x2080, s20;
	s19 =	sshll.u32 s19, $0x7;
	[tilespmem:s14+$0x70] =	vst v10  }
0x20: {  	v8 =	vadd.s32 s19, v9;
	[tilespmem:s14+$0x0] =	vst v11;
	[tilespmem:s20], [sflag:$0x1] =	stream.indirect.gather [hbm4b:s1+s10], $0x1, s14, s10, $0xb8  }
0x21: {  	s17 =	sadd.s32 $0x1, s17;
	v10 =	vadd.s32 v1, v8;
	s14 =	sadd.s32 $0x80, s14  }
0x22: {  	[tilespmem:s14+$0x10] =	vst v10;
	v9 =	vadd.s32 v2, v8  }
0x23: {  	v59 =	vadd.s32 v3, v8;
	[tilespmem:s14+$0x20] =	vst v9  }
0x24: {  	v60 =	vadd.s32 v4, v8;
	[tilespmem:s14+$0x30] =	vst v59  }
0x25: {  	v61 =	vadd.s32 v5, v8;
	[tilespmem:s14+$0x40] =	vst v60  }
0x26: {  	s16 =	sshll.u32 s16, $0x4;
	v62 =	vadd.s32 v6, v8;
	[tilespmem:s14+$0x50] =	vst v61  }
0x27: {  	s15 =	sshll.u32 s15, $0x3;
	v63 =	vadd.s32 v7, v8;
	s16 =	sand.u32 $0x3FFFFF80, s16;
	[tilespmem:s14+$0x60] =	vst v62  }
0x28: {  	v8 =	vadd.s32 v0, v8;
	[tilespmem:s14+$0x70] =	vst v63;
	s15 =	sadd.s32 s16, s15  }
0x29: {  	[tilespmem:s14+$0x0] =	vst v8;
	s15 =	sadd.s32 $0x2080, s15  }
0x2a: {  	[tilespmem:s15], [sflag:$0x1] =	stream.indirect.gather [hbm4b:s1+s10], $0x1, s14, s10, $0xb8;
	[tilespmem:$0x4080] =	vst v63  }
0x2b: {  	s13 =	sadd.s32 $0x1, s13;
	_ =	swait.ge [sflag:s11], $0x2000  }
0x2c: {  	p0 =	sne.s32 s13, s8;
	[sflag:s11] =	ssyncset.done $0x0  }
.Ltmp1:
0x2d: {  	[sflag:s11] =	ssyncadd.s32 $0xFFFFE000;
	(pc) =	sbr.rel @p0 .LBB2_1-.Ltmp1, $4  }
0x2e: {  	[hbm4b:s7+s4] =	stream.linear.scatter [tilespmem:s12], [sflag:$0x2], $0x2000, $0x38;
	[tilespmem:$0x4080] =	vst v63  }
0x2f: {  	_ =	swait.ge [sflag:s9], $0x2000  }
0x30: {  	[sflag:s9] =	ssyncset.done $0x0  }
0x31: {  	[sflag:s9] =	ssyncadd.s32 $0xFFFFE000  }
0x32: {  	_ =	sfence.sel $0x180000  }
0x33: {  	[bflag:$0x0] =	sbarrier.arrive $0xFFFF  }
0x34: {  	p0 =	sne.s32 s3, $0x0;
	_ =	strace $0x90000047  }
0x35: {  	s0 =	sadd.s32 @!p0 $0x100000, s0;
	[bflag:$0x2] =	sbarrier.arrive $0xFFFF  }
0x36: {  	[sflag:s0] =	ssyncadd.tile.s32 @!p0 $0x1;
	_ =	shalt  }
.Lfunc_end2:
_tile_overlayer_lowered:
.L_overlay_start_2:
0x37: {  	(tag) =	ssettag $0x2  }
0x38: {  	s0 =	rddreg [dreg:$0x0];
	s2 =	stileid.u32  }
0x39: {  	s1 =	rddreg [dreg:$0x1];
	p0 =	sne.s32 s2, $0x0  }
0x3a: {  	s3 =	rddreg [dreg:$0x2];
	[bflag:$0x3] =	sbarrier.arrive $0xFFFF;
	s2 =	simm.s32 @!p0 $0x1C02  }
0x3b: {  	[timem:s3], [sflag:s2] =	dma.local @!p0 [hbm:s0], s1  }
0x3c: {  	s0 =	simm.s32 @!p0 $0x2  }
0x3d: {  	_ =	swait.ge @!p0 [sflag:s0], s1  }
0x3e: {  	s1 =	ssub.s32 @!p0 $0x0, s1;
	[sflag:s0] =	ssyncset.done @!p0 $0x0  }
0x3f: {  	[sflag:s0] =	ssyncadd.s32 @!p0 s1  }
0x40: {  	[bflag:$0x3] =	sbarrier.arrive $0xFFFF  }
0x41: {  	_ =	shalt  }

</sc_bundles>
